<compile_context>
chip_gen: v7x
topology: tpu7x:2x2x1
jax: 0.10.2.dev20260603
libtpu: 0.0.44.dev20260713+nightly
codegen_flags: <defaults>
</compile_context>

<pallas_src>
import functools

import jax
import jax.numpy as jnp
from jax import lax
from jax.experimental import pallas as pl
from jax.experimental.pallas import tpu as pltpu
from jax.experimental.pallas import tpu_sc as plsc

N_REGIMES_ = 3
N_COLS_ = 5
LANES_ = 16


def _take16(vec, idx):
    dnums = lax.GatherDimensionNumbers(
        offset_dims=(), collapsed_slice_dims=(0,), start_index_map=(0,)
    )
    return lax.gather(
        vec,
        idx[:, None],
        dnums,
        (1,),
        mode=lax.GatherScatterMode.PROMISE_IN_BOUNDS,
    )


@functools.lru_cache(maxsize=None)
def _build_sc_gather(batch: int):
    info = plsc.get_sparse_core_info()
    nc, ns = 1, info.num_subcores
    nw = nc * ns
    assert batch % (nw * LANES_) == 0
    b_per_w = batch // nw
    mesh = plsc.VectorSubcoreMesh(
        core_axis_name="c", subcore_axis_name="s", num_cores=nc
    )

    @functools.partial(
        pl.kernel,
        mesh=mesh,
        out_type=jax.ShapeDtypeStruct((N_COLS_, batch), jnp.float32),
        scratch_types=[
            pltpu.VMEM((b_per_w,), jnp.int32),
            pltpu.VMEM((LANES_,), jnp.float32),
            pltpu.VMEM((N_COLS_, b_per_w), jnp.float32),
            pltpu.SemaphoreType.DMA,
            pltpu.SemaphoreType.DMA,
        ],
    )
    def sc_gather(regime_hbm, table_hbm, out_hbm, idx_v, table_v, out_v, isem, tsem):
        wid = lax.axis_index("s") * nc + lax.axis_index("c")
        base = wid * b_per_w
        icp = pltpu.async_copy(regime_hbm.at[pl.ds(base, b_per_w)], idx_v, isem)
        pltpu.async_copy(
            table_hbm, table_v.at[pl.ds(0, N_REGIMES_ * N_COLS_)], tsem
        ).wait()
        table_reg = table_v[...]
        zero = jnp.zeros((LANES_,), jnp.int32)
        top = jnp.full((LANES_,), N_REGIMES_ - 1, jnp.int32)
        lane5 = lax.iota(jnp.int32, LANES_) * N_COLS_
        top15 = jnp.full((LANES_,), LANES_ - 1, jnp.int32)
        cols = [
            _take16(table_reg, jnp.minimum(lane5 + j, top15))
            for j in range(N_COLS_)
        ]
        icp.wait()

        def step(u):
            r = idx_v[pl.ds(u * LANES_, LANES_)]
            rc = jnp.minimum(jnp.maximum(r, zero), top)
            for j in range(N_COLS_):
                out_v[j, pl.ds(u * LANES_, LANES_)] = _take16(cols[j], rc)

        def body(v, carry):
            step(v * 2)
            step(v * 2 + 1)
            return carry

        half = b_per_w // 2
        lax.fori_loop(0, half // (2 * LANES_), body, 0)
        first = pltpu.async_copy(
            out_v.at[:, pl.ds(0, half)],
            out_hbm.at[:, pl.ds(base, half)],
            isem,
        )
        lax.fori_loop(half // (2 * LANES_), b_per_w // (2 * LANES_), body, 0)
        pltpu.async_copy(
            out_v.at[:, pl.ds(half, half)],
            out_hbm.at[:, pl.ds(base + half, half)],
            tsem,
        ).wait()
        first.wait()

    return sc_gather


def kernel(x, regime, regime_weights):
    del x
    batch = regime.shape[0]
    regime = regime.astype(jnp.int32)
    table = regime_weights.astype(jnp.float32).reshape(-1)
    out_t = _build_sc_gather(batch)(regime, table)
    return out_t.T

# --- scband reference (transcript-rebuilt; emitter-appended) ---
"""Pipeline reference for scband-regime-aware-fixed-gating-26491358281819 (READ-ONLY COPY).

The authoritative reference and input builder live on the scoring server;
editing this copy changes nothing except your own understanding.
"""

import jax, jax.numpy as jnp
import numpy as np

N_EXPERTS = 5
N_REGIMES = 3
EXPERT_NAMES = ["har_rv", "lstm", "tcn", "chronos_fintext", "timesfm_fintext"]
REGIME_WEIGHTS_DICT = {
    0: {"har_rv": 0.5, "lstm": 0.2, "tcn": 0.15, "chronos_fintext": 0.1, "timesfm_fintext": 0.05},
    1: {"har_rv": 0.3, "lstm": 0.3, "tcn": 0.2, "chronos_fintext": 0.1, "timesfm_fintext": 0.1},
    2: {"har_rv": 0.1, "lstm": 0.4, "tcn": 0.3, "chronos_fintext": 0.1, "timesfm_fintext": 0.1},
}

def _build_regime_weights():
    weight_matrix = []
    for regime in range(N_REGIMES):
        regime_dict = REGIME_WEIGHTS_DICT.get(regime, {})
        weight_values = [regime_dict.get(name, 1.0 / N_EXPERTS) for name in EXPERT_NAMES]
        weight_sum = sum(weight_values)
        weight_values = [w / weight_sum for w in weight_values]
        weight_matrix.append(weight_values)
    return jnp.asarray(np.array(weight_matrix, dtype=np.float32))

def setup_inputs(seed: int = 0) -> dict:
    key = jax.random.key(seed)
    k1, k2 = jax.random.split(key)
    x = jax.random.normal(k1, (16384, 128), dtype=jnp.float32)
    regime = jax.random.randint(k2, (16384,), 0, 3, dtype=jnp.int64) if jax.config.read('jax_enable_x64') else jax.random.randint(k2, (16384,), 0, 3, dtype=jnp.int32)
    regime_weights = _build_regime_weights()
    return {"x": x, "regime": regime, "regime_weights": regime_weights}

def reference(x, regime, regime_weights):
    # forward with regime provided: clamp then gather rows of the regime weight table
    regime = jnp.clip(regime, 0, N_REGIMES - 1)
    weights = jnp.take(regime_weights, regime, axis=0)
    return weights

if __name__ == "__main__":
    import jax
    _d = setup_inputs()
    print(jax.jit(kernel)(*tuple(_d.values())))

</pallas_src>

<mosaic_0001>
#map = affine_map<(d0, d1) -> (0)>
#map1 = affine_map<(d0, d1) -> (0, 0)>
module attributes {stable_mosaic.version = 14 : i64} {
  func.func @sc_gather(%arg0: i32, %arg1: i32, %arg2: memref<16384xi32, #tpu.memory_space<hbm>>, %arg3: memref<15xf32, #tpu.memory_space<hbm>>, %arg4: memref<5x16384xf32, #tpu.memory_space<hbm>>, %arg5: memref<1024xi32, #tpu.memory_space<vmem>>, %arg6: memref<16xf32, #tpu.memory_space<vmem>>, %arg7: memref<5x1024xf32, #tpu.memory_space<vmem>>, %arg8: memref<!tpu.dma_semaphore, #tpu.memory_space<semaphore_mem>>, %arg9: memref<!tpu.dma_semaphore, #tpu.memory_space<semaphore_mem>>) attributes {dimension_semantics = [#tpu.dimension_semantics<core_parallel>, #tpu.dimension_semantics<subcore_parallel>], iteration_bounds = array<i64: 1, 16>, scalar_prefetch = 0 : i64, scratch_operands = 5 : i64, tpu.core_type = #tpu.core_type<sc_vector_subcore>, window_params = [{transform_indices = #map}, {transform_indices = #map}, {transform_indices = #map1}]} {
    %mul3A = arith.constant 1 : i32
    %mul3A_0 = arith.muli %arg1, %mul3A : i32
    %add3A = arith.addi %mul3A_0, %arg0 : i32
    %mul3A_1 = arith.constant 1024 : i32
    %mul3A_2 = arith.muli %add3A, %mul3A_1 : i32
    %dma_start3A = tpu.memref_slice %arg2[%mul3A_2] : memref<16384xi32, #tpu.memory_space<hbm>> -> memref<1024xi32, #tpu.memory_space<hbm>>
    %dma_start3A_3 = tpu.memref_slice %arg2[%mul3A_2] : memref<16384xi32, #tpu.memory_space<hbm>> -> memref<1024xi32, #tpu.memory_space<hbm>>
    tpu.enqueue_dma source(%dma_start3A_3 : memref<1024xi32, #tpu.memory_space<hbm>>) target(%arg5 : memref<1024xi32, #tpu.memory_space<vmem>>) target_semaphore(%arg8 : memref<!tpu.dma_semaphore, #tpu.memory_space<semaphore_mem>>)
    %dma_start3A_4 = arith.constant 0 : i32
    %dma_start3A_5 = tpu.memref_slice %arg6[%dma_start3A_4] : memref<16xf32, #tpu.memory_space<vmem>> -> memref<15xf32, #tpu.memory_space<vmem>>
    %dma_start3A_6 = arith.constant 0 : i32
    %dma_start3A_7 = tpu.memref_slice %arg6[%dma_start3A_6] : memref<16xf32, #tpu.memory_space<vmem>> -> memref<15xf32, #tpu.memory_space<vmem>>
    tpu.enqueue_dma source(%arg3 : memref<15xf32, #tpu.memory_space<hbm>>) target(%dma_start3A_7 : memref<15xf32, #tpu.memory_space<vmem>>) target_semaphore(%arg9 : memref<!tpu.dma_semaphore, #tpu.memory_space<semaphore_mem>>)
    %dma_wait3A = arith.constant 0 : i32
    %dma_wait3A_8 = tpu.memref_slice %arg6[%dma_wait3A] : memref<16xf32, #tpu.memory_space<vmem>> -> memref<15xf32, #tpu.memory_space<vmem>>
    %dma_wait3A_9 = arith.constant 0 : i32
    %dma_wait3A_10 = tpu.memref_slice %arg6[%dma_wait3A_9] : memref<16xf32, #tpu.memory_space<vmem>> -> memref<15xf32, #tpu.memory_space<vmem>>
    tpu.wait_dma2 semaphore(%arg9 : memref<!tpu.dma_semaphore, #tpu.memory_space<semaphore_mem>>) src(%arg3 : memref<15xf32, #tpu.memory_space<hbm>>) dst(%dma_wait3A_10 : memref<15xf32, #tpu.memory_space<vmem>>)
    %get3A = arith.constant 0 : index
    %get3A_11 = tpu.vector_load %arg6[%get3A] {strides = array<i32>} : memref<16xf32, #tpu.memory_space<vmem>>, vector<16xf32>,
    %get3A_12 = vector.shape_cast %get3A_11 : vector<16xf32> to vector<16xf32>
    %broadcast_in_dim3A = arith.constant 0 : i32
    %broadcast_in_dim3A_13 = vector.broadcast %broadcast_in_dim3A : i32 to vector<16xi32>
    %broadcast_in_dim3A_14 = arith.constant 2 : i32
    %broadcast_in_dim3A_15 = vector.broadcast %broadcast_in_dim3A_14 : i32 to vector<16xi32>
    %iota3A = tpu.iota {dimensions = array<i32: 0>} : vector<16xi32>
    %mul3A_16 = arith.constant 5 : i32
    %mul3A_17 = vector.broadcast %mul3A_16 : i32 to vector<16xi32>
    %mul3A_18 = arith.muli %iota3A, %mul3A_17 : vector<16xi32>
    %broadcast_in_dim3A_19 = arith.constant 15 : i32
    %broadcast_in_dim3A_20 = vector.broadcast %broadcast_in_dim3A_19 : i32 to vector<16xi32>
    %add3A_21 = arith.constant 0 : i32
    %add3A_22 = vector.broadcast %add3A_21 : i32 to vector<16xi32>
    %add3A_23 = arith.addi %mul3A_18, %add3A_22 : vector<16xi32>
    %min3A = arith.minsi %add3A_23, %broadcast_in_dim3A_20 : vector<16xi32>
    %broadcast_in_dim3A_24 = vector.shape_cast %min3A : vector<16xi32> to vector<16x1xi32>
    %gather3A = vector.shape_cast %broadcast_in_dim3A_24 : vector<16x1xi32> to vector<16xi32>
    %gather3A_25 = tpu.dynamic_gather %get3A_12[%gather3A] in [0] : vector<16xf32>, vector<16xi32> -> vector<16xf32>
    %add3A_26 = arith.constant 1 : i32
    %add3A_27 = vector.broadcast %add3A_26 : i32 to vector<16xi32>
    %add3A_28 = arith.addi %mul3A_18, %add3A_27 : vector<16xi32>
    %min3A_29 = arith.minsi %add3A_28, %broadcast_in_dim3A_20 : vector<16xi32>
    %broadcast_in_dim3A_30 = vector.shape_cast %min3A_29 : vector<16xi32> to vector<16x1xi32>
    %gather3A_31 = vector.shape_cast %broadcast_in_dim3A_30 : vector<16x1xi32> to vector<16xi32>
    %gather3A_32 = tpu.dynamic_gather %get3A_12[%gather3A_31] in [0] : vector<16xf32>, vector<16xi32> -> vector<16xf32>
    %add3A_33 = arith.constant 2 : i32
    %add3A_34 = vector.broadcast %add3A_33 : i32 to vector<16xi32>
    %add3A_35 = arith.addi %mul3A_18, %add3A_34 : vector<16xi32>
    %min3A_36 = arith.minsi %add3A_35, %broadcast_in_dim3A_20 : vector<16xi32>
    %broadcast_in_dim3A_37 = vector.shape_cast %min3A_36 : vector<16xi32> to vector<16x1xi32>
    %gather3A_38 = vector.shape_cast %broadcast_in_dim3A_37 : vector<16x1xi32> to vector<16xi32>
    %gather3A_39 = tpu.dynamic_gather %get3A_12[%gather3A_38] in [0] : vector<16xf32>, vector<16xi32> -> vector<16xf32>
    %add3A_40 = arith.constant 3 : i32
    %add3A_41 = vector.broadcast %add3A_40 : i32 to vector<16xi32>
    %add3A_42 = arith.addi %mul3A_18, %add3A_41 : vector<16xi32>
    %min3A_43 = arith.minsi %add3A_42, %broadcast_in_dim3A_20 : vector<16xi32>
    %broadcast_in_dim3A_44 = vector.shape_cast %min3A_43 : vector<16xi32> to vector<16x1xi32>
    %gather3A_45 = vector.shape_cast %broadcast_in_dim3A_44 : vector<16x1xi32> to vector<16xi32>
    %gather3A_46 = tpu.dynamic_gather %get3A_12[%gather3A_45] in [0] : vector<16xf32>, vector<16xi32> -> vector<16xf32>
    %add3A_47 = arith.constant 4 : i32
    %add3A_48 = vector.broadcast %add3A_47 : i32 to vector<16xi32>
    %add3A_49 = arith.addi %mul3A_18, %add3A_48 : vector<16xi32>
    %min3A_50 = arith.minsi %add3A_49, %broadcast_in_dim3A_20 : vector<16xi32>
    %broadcast_in_dim3A_51 = vector.shape_cast %min3A_50 : vector<16xi32> to vector<16x1xi32>
    %gather3A_52 = vector.shape_cast %broadcast_in_dim3A_51 : vector<16x1xi32> to vector<16xi32>
    %gather3A_53 = tpu.dynamic_gather %get3A_12[%gather3A_52] in [0] : vector<16xf32>, vector<16xi32> -> vector<16xf32>
    %dma_wait3A_54 = tpu.memref_slice %arg2[%mul3A_2] : memref<16384xi32, #tpu.memory_space<hbm>> -> memref<1024xi32, #tpu.memory_space<hbm>>
    %dma_wait3A_55 = tpu.memref_slice %arg2[%mul3A_2] : memref<16384xi32, #tpu.memory_space<hbm>> -> memref<1024xi32, #tpu.memory_space<hbm>>
    tpu.wait_dma2 semaphore(%arg8 : memref<!tpu.dma_semaphore, #tpu.memory_space<semaphore_mem>>) src(%dma_wait3A_55 : memref<1024xi32, #tpu.memory_space<hbm>>) dst(%arg5 : memref<1024xi32, #tpu.memory_space<vmem>>)
    %scan3A = arith.constant 0 : i32
    %scan3A_56 = arith.constant 0 : i32
    %scan3A_57 = arith.constant 16 : i32
    %scan3A_58 = arith.addi %scan3A_56, %scan3A_57 : i32
    %scan3A_59 = arith.constant 1 : i32
    scf.for %scan3A_109 = %scan3A_56 to %scan3A_58 step %scan3A_59  : i32 {
      %mul3A_110 = arith.constant 2 : i32
      %mul3A_111 = arith.muli %scan3A_109, %mul3A_110 : i32
      %mul3A_112 = arith.constant 16 : i32
      %mul3A_113 = arith.muli %mul3A_111, %mul3A_112 : i32
      %get3A_114 = arith.index_cast %mul3A_113 : i32 to index
      %get3A_115 = tpu.vector_load %arg5[%get3A_114] {strides = array<i32>} : memref<1024xi32, #tpu.memory_space<vmem>>, vector<16xi32>,
      %get3A_116 = vector.shape_cast %get3A_115 : vector<16xi32> to vector<16xi32>
      %max3A = arith.maxsi %get3A_116, %broadcast_in_dim3A_13 : vector<16xi32>
      %min3A_117 = arith.minsi %max3A, %broadcast_in_dim3A_15 : vector<16xi32>
      %broadcast_in_dim3A_118 = vector.shape_cast %min3A_117 : vector<16xi32> to vector<16x1xi32>
      %gather3A_119 = vector.shape_cast %broadcast_in_dim3A_118 : vector<16x1xi32> to vector<16xi32>
      %gather3A_120 = tpu.dynamic_gather %gather3A_25[%gather3A_119] in [0] : vector<16xf32>, vector<16xi32> -> vector<16xf32>
      %mul3A_121 = arith.constant 16 : i32
      %mul3A_122 = arith.muli %mul3A_111, %mul3A_121 : i32
      %swap3A = arith.constant 0 : i32
      %swap3A_123 = arith.index_cast %swap3A : i32 to index
      %swap3A_124 = arith.index_cast %mul3A_122 : i32 to index
      %swap3A_125 = tpu.vector_load %arg7[%swap3A_123, %swap3A_124] {strides = array<i32>} : memref<5x1024xf32, #tpu.memory_space<vmem>>, vector<1x16xf32>,
      %swap3A_126 = vector.shape_cast %swap3A_125 : vector<1x16xf32> to vector<16xf32>
      %swap3A_127 = vector.shape_cast %gather3A_120 : vector<16xf32> to vector<1x16xf32>
      tpu.vector_store %arg7[%swap3A_123, %swap3A_124], %swap3A_127 {strides = array<i32>} : memref<5x1024xf32, #tpu.memory_space<vmem>>, vector<1x16xf32>,
      %broadcast_in_dim3A_128 = vector.shape_cast %min3A_117 : vector<16xi32> to vector<16x1xi32>
      %gather3A_129 = vector.shape_cast %broadcast_in_dim3A_128 : vector<16x1xi32> to vector<16xi32>
      %gather3A_130 = tpu.dynamic_gather %gather3A_32[%gather3A_129] in [0] : vector<16xf32>, vector<16xi32> -> vector<16xf32>
      %mul3A_131 = arith.constant 16 : i32
      %mul3A_132 = arith.muli %mul3A_111, %mul3A_131 : i32
      %swap3A_133 = arith.constant 1 : i32
      %swap3A_134 = arith.index_cast %swap3A_133 : i32 to index
      %swap3A_135 = arith.index_cast %mul3A_132 : i32 to index
      %swap3A_136 = tpu.vector_load %arg7[%swap3A_134, %swap3A_135] {strides = array<i32>} : memref<5x1024xf32, #tpu.memory_space<vmem>>, vector<1x16xf32>,
      %swap3A_137 = vector.shape_cast %swap3A_136 : vector<1x16xf32> to vector<16xf32>
      %swap3A_138 = vector.shape_cast %gather3A_130 : vector<16xf32> to vector<1x16xf32>
      tpu.vector_store %arg7[%swap3A_134, %swap3A_135], %swap3A_138 {strides = array<i32>} : memref<5x1024xf32, #tpu.memory_space<vmem>>, vector<1x16xf32>,
      %broadcast_in_dim3A_139 = vector.shape_cast %min3A_117 : vector<16xi32> to vector<16x1xi32>
      %gather3A_140 = vector.shape_cast %broadcast_in_dim3A_139 : vector<16x1xi32> to vector<16xi32>
      %gather3A_141 = tpu.dynamic_gather %gather3A_39[%gather3A_140] in [0] : vector<16xf32>, vector<16xi32> -> vector<16xf32>
      %mul3A_142 = arith.constant 16 : i32
      %mul3A_143 = arith.muli %mul3A_111, %mul3A_142 : i32
      %swap3A_144 = arith.constant 2 : i32
      %swap3A_145 = arith.index_cast %swap3A_144 : i32 to index
      %swap3A_146 = arith.index_cast %mul3A_143 : i32 to index
      %swap3A_147 = tpu.vector_load %arg7[%swap3A_145, %swap3A_146] {strides = array<i32>} : memref<5x1024xf32, #tpu.memory_space<vmem>>, vector<1x16xf32>,
      %swap3A_148 = vector.shape_cast %swap3A_147 : vector<1x16xf32> to vector<16xf32>
      %swap3A_149 = vector.shape_cast %gather3A_141 : vector<16xf32> to vector<1x16xf32>
      tpu.vector_store %arg7[%swap3A_145, %swap3A_146], %swap3A_149 {strides = array<i32>} : memref<5x1024xf32, #tpu.memory_space<vmem>>, vector<1x16xf32>,
      %broadcast_in_dim3A_150 = vector.shape_cast %min3A_117 : vector<16xi32> to vector<16x1xi32>
      %gather3A_151 = vector.shape_cast %broadcast_in_dim3A_150 : vector<16x1xi32> to vector<16xi32>
      %gather3A_152 = tpu.dynamic_gather %gather3A_46[%gather3A_151] in [0] : vector<16xf32>, vector<16xi32> -> vector<16xf32>
      %mul3A_153 = arith.constant 16 : i32
      %mul3A_154 = arith.muli %mul3A_111, %mul3A_153 : i32
      %swap3A_155 = arith.constant 3 : i32
      %swap3A_156 = arith.index_cast %swap3A_155 : i32 to index
      %swap3A_157 = arith.index_cast %mul3A_154 : i32 to index
      %swap3A_158 = tpu.vector_load %arg7[%swap3A_156, %swap3A_157] {strides = array<i32>} : memref<5x1024xf32, #tpu.memory_space<vmem>>, vector<1x16xf32>,
      %swap3A_159 = vector.shape_cast %swap3A_158 : vector<1x16xf32> to vector<16xf32>
      %swap3A_160 = vector.shape_cast %gather3A_152 : vector<16xf32> to vector<1x16xf32>
      tpu.vector_store %arg7[%swap3A_156, %swap3A_157], %swap3A_160 {strides = array<i32>} : memref<5x1024xf32, #tpu.memory_space<vmem>>, vector<1x16xf32>,
      %broadcast_in_dim3A_161 = vector.shape_cast %min3A_117 : vector<16xi32> to vector<16x1xi32>
      %gather3A_162 = vector.shape_cast %broadcast_in_dim3A_161 : vector<16x1xi32> to vector<16xi32>
      %gather3A_163 = tpu.dynamic_gather %gather3A_53[%gather3A_162] in [0] : vector<16xf32>, vector<16xi32> -> vector<16xf32>
      %mul3A_164 = arith.constant 16 : i32
      %mul3A_165 = arith.muli %mul3A_111, %mul3A_164 : i32
      %swap3A_166 = arith.constant 4 : i32
      %swap3A_167 = arith.index_cast %swap3A_166 : i32 to index
      %swap3A_168 = arith.index_cast %mul3A_165 : i32 to index
      %swap3A_169 = tpu.vector_load %arg7[%swap3A_167, %swap3A_168] {strides = array<i32>} : memref<5x1024xf32, #tpu.memory_space<vmem>>, vector<1x16xf32>,
      %swap3A_170 = vector.shape_cast %swap3A_169 : vector<1x16xf32> to vector<16xf32>
      %swap3A_171 = vector.shape_cast %gather3A_163 : vector<16xf32> to vector<1x16xf32>
      tpu.vector_store %arg7[%swap3A_167, %swap3A_168], %swap3A_171 {strides = array<i32>} : memref<5x1024xf32, #tpu.memory_space<vmem>>, vector<1x16xf32>,
      %mul3A_172 = arith.constant 2 : i32
      %mul3A_173 = arith.muli %scan3A_109, %mul3A_172 : i32
      %add3A_174 = arith.constant 1 : i32
      %add3A_175 = arith.addi %mul3A_173, %add3A_174 : i32
      %mul3A_176 = arith.constant 16 : i32
      %mul3A_177 = arith.muli %add3A_175, %mul3A_176 : i32
      %get3A_178 = arith.index_cast %mul3A_177 : i32 to index
      %get3A_179 = tpu.vector_load %arg5[%get3A_178] {strides = array<i32>} : memref<1024xi32, #tpu.memory_space<vmem>>, vector<16xi32>,
      %get3A_180 = vector.shape_cast %get3A_179 : vector<16xi32> to vector<16xi32>
      %max3A_181 = arith.maxsi %get3A_180, %broadcast_in_dim3A_13 : vector<16xi32>
      %min3A_182 = arith.minsi %max3A_181, %broadcast_in_dim3A_15 : vector<16xi32>
      %broadcast_in_dim3A_183 = vector.shape_cast %min3A_182 : vector<16xi32> to vector<16x1xi32>
      %gather3A_184 = vector.shape_cast %broadcast_in_dim3A_183 : vector<16x1xi32> to vector<16xi32>
      %gather3A_185 = tpu.dynamic_gather %gather3A_25[%gather3A_184] in [0] : vector<16xf32>, vector<16xi32> -> vector<16xf32>
      %mul3A_186 = arith.constant 16 : i32
      %mul3A_187 = arith.muli %add3A_175, %mul3A_186 : i32
      %swap3A_188 = arith.constant 0 : i32
      %swap3A_189 = arith.index_cast %swap3A_188 : i32 to index
      %swap3A_190 = arith.index_cast %mul3A_187 : i32 to index
      %swap3A_191 = tpu.vector_load %arg7[%swap3A_189, %swap3A_190] {strides = array<i32>} : memref<5x1024xf32, #tpu.memory_space<vmem>>, vector<1x16xf32>,
      %swap3A_192 = vector.shape_cast %swap3A_191 : vector<1x16xf32> to vector<16xf32>
      %swap3A_193 = vector.shape_cast %gather3A_185 : vector<16xf32> to vector<1x16xf32>
      tpu.vector_store %arg7[%swap3A_189, %swap3A_190], %swap3A_193 {strides = array<i32>} : memref<5x1024xf32, #tpu.memory_space<vmem>>, vector<1x16xf32>,
      %broadcast_in_dim3A_194 = vector.shape_cast %min3A_182 : vector<16xi32> to vector<16x1xi32>
      %gather3A_195 = vector.shape_cast %broadcast_in_dim3A_194 : vector<16x1xi32> to vector<16xi32>
      %gather3A_196 = tpu.dynamic_gather %gather3A_32[%gather3A_195] in [0] : vector<16xf32>, vector<16xi32> -> vector<16xf32>
      %mul3A_197 = arith.constant 16 : i32
      %mul3A_198 = arith.muli %add3A_175, %mul3A_197 : i32
      %swap3A_199 = arith.constant 1 : i32
      %swap3A_200 = arith.index_cast %swap3A_199 : i32 to index
      %swap3A_201 = arith.index_cast %mul3A_198 : i32 to index
      %swap3A_202 = tpu.vector_load %arg7[%swap3A_200, %swap3A_201] {strides = array<i32>} : memref<5x1024xf32, #tpu.memory_space<vmem>>, vector<1x16xf32>,
      %swap3A_203 = vector.shape_cast %swap3A_202 : vector<1x16xf32> to vector<16xf32>
      %swap3A_204 = vector.shape_cast %gather3A_196 : vector<16xf32> to vector<1x16xf32>
      tpu.vector_store %arg7[%swap3A_200, %swap3A_201], %swap3A_204 {strides = array<i32>} : memref<5x1024xf32, #tpu.memory_space<vmem>>, vector<1x16xf32>,
      %broadcast_in_dim3A_205 = vector.shape_cast %min3A_182 : vector<16xi32> to vector<16x1xi32>
      %gather3A_206 = vector.shape_cast %broadcast_in_dim3A_205 : vector<16x1xi32> to vector<16xi32>
      %gather3A_207 = tpu.dynamic_gather %gather3A_39[%gather3A_206] in [0] : vector<16xf32>, vector<16xi32> -> vector<16xf32>
      %mul3A_208 = arith.constant 16 : i32
      %mul3A_209 = arith.muli %add3A_175, %mul3A_208 : i32
      %swap3A_210 = arith.constant 2 : i32
      %swap3A_211 = arith.index_cast %swap3A_210 : i32 to index
      %swap3A_212 = arith.index_cast %mul3A_209 : i32 to index
      %swap3A_213 = tpu.vector_load %arg7[%swap3A_211, %swap3A_212] {strides = array<i32>} : memref<5x1024xf32, #tpu.memory_space<vmem>>, vector<1x16xf32>,
      %swap3A_214 = vector.shape_cast %swap3A_213 : vector<1x16xf32> to vector<16xf32>
      %swap3A_215 = vector.shape_cast %gather3A_207 : vector<16xf32> to vector<1x16xf32>
      tpu.vector_store %arg7[%swap3A_211, %swap3A_212], %swap3A_215 {strides = array<i32>} : memref<5x1024xf32, #tpu.memory_space<vmem>>, vector<1x16xf32>,
      %broadcast_in_dim3A_216 = vector.shape_cast %min3A_182 : vector<16xi32> to vector<16x1xi32>
      %gather3A_217 = vector.shape_cast %broadcast_in_dim3A_216 : vector<16x1xi32> to vector<16xi32>
      %gather3A_218 = tpu.dynamic_gather %gather3A_46[%gather3A_217] in [0] : vector<16xf32>, vector<16xi32> -> vector<16xf32>
      %mul3A_219 = arith.constant 16 : i32
      %mul3A_220 = arith.muli %add3A_175, %mul3A_219 : i32
      %swap3A_221 = arith.constant 3 : i32
      %swap3A_222 = arith.index_cast %swap3A_221 : i32 to index
      %swap3A_223 = arith.index_cast %mul3A_220 : i32 to index
      %swap3A_224 = tpu.vector_load %arg7[%swap3A_222, %swap3A_223] {strides = array<i32>} : memref<5x1024xf32, #tpu.memory_space<vmem>>, vector<1x16xf32>,
      %swap3A_225 = vector.shape_cast %swap3A_224 : vector<1x16xf32> to vector<16xf32>
      %swap3A_226 = vector.shape_cast %gather3A_218 : vector<16xf32> to vector<1x16xf32>
      tpu.vector_store %arg7[%swap3A_222, %swap3A_223], %swap3A_226 {strides = array<i32>} : memref<5x1024xf32, #tpu.memory_space<vmem>>, vector<1x16xf32>,
      %broadcast_in_dim3A_227 = vector.shape_cast %min3A_182 : vector<16xi32> to vector<16x1xi32>
      %gather3A_228 = vector.shape_cast %broadcast_in_dim3A_227 : vector<16x1xi32> to vector<16xi32>
      %gather3A_229 = tpu.dynamic_gather %gather3A_53[%gather3A_228] in [0] : vector<16xf32>, vector<16xi32> -> vector<16xf32>
      %mul3A_230 = arith.constant 16 : i32
      %mul3A_231 = arith.muli %add3A_175, %mul3A_230 : i32
      %swap3A_232 = arith.constant 4 : i32
      %swap3A_233 = arith.index_cast %swap3A_232 : i32 to index
      %swap3A_234 = arith.index_cast %mul3A_231 : i32 to index
      %swap3A_235 = tpu.vector_load %arg7[%swap3A_233, %swap3A_234] {strides = array<i32>} : memref<5x1024xf32, #tpu.memory_space<vmem>>, vector<1x16xf32>,
      %swap3A_236 = vector.shape_cast %swap3A_235 : vector<1x16xf32> to vector<16xf32>
      %swap3A_237 = vector.shape_cast %gather3A_229 : vector<16xf32> to vector<1x16xf32>
      tpu.vector_store %arg7[%swap3A_233, %swap3A_234], %swap3A_237 {strides = array<i32>} : memref<5x1024xf32, #tpu.memory_space<vmem>>, vector<1x16xf32>,
    }
    %scan3A_60 = arith.constant 16 : i32
    %dma_start3A_61 = arith.constant 0 : i32
    %dma_start3A_62 = arith.constant 0 : i32
    %dma_start3A_63 = tpu.memref_slice %arg7[%dma_start3A_61, %dma_start3A_62] : memref<5x1024xf32, #tpu.memory_space<vmem>> -> memref<5x512xf32, #tpu.memory_space<vmem>>
    %dma_start3A_64 = arith.constant 0 : i32
    %dma_start3A_65 = tpu.memref_slice %arg4[%dma_start3A_64, %mul3A_2] : memref<5x16384xf32, #tpu.memory_space<hbm>> -> memref<5x512xf32, #tpu.memory_space<hbm>>
    %dma_start3A_66 = arith.constant 0 : i32
    %dma_start3A_67 = tpu.memref_slice %arg4[%dma_start3A_66, %mul3A_2] : memref<5x16384xf32, #tpu.memory_space<hbm>> -> memref<5x512xf32, #tpu.memory_space<hbm>>
    %dma_start3A_68 = arith.constant 0 : i32
    %dma_start3A_69 = arith.constant 0 : i32
    %dma_start3A_70 = tpu.memref_slice %arg7[%dma_start3A_68, %dma_start3A_69] : memref<5x1024xf32, #tpu.memory_space<vmem>> -> memref<5x512xf32, #tpu.memory_space<vmem>>
    tpu.enqueue_dma source(%dma_start3A_70 : memref<5x512xf32, #tpu.memory_space<vmem>>) target(%dma_start3A_67 : memref<5x512xf32, #tpu.memory_space<hbm>>) target_semaphore(%arg8 : memref<!tpu.dma_semaphore, #tpu.memory_space<semaphore_mem>>)
    %scan3A_71 = arith.constant 0 : i32
    %scan3A_72 = arith.constant 16 : i32
    %scan3A_73 = arith.constant 16 : i32
    %scan3A_74 = arith.addi %scan3A_72, %scan3A_73 : i32
    %scan3A_75 = arith.constant 1 : i32
    scf.for %scan3A_109 = %scan3A_72 to %scan3A_74 step %scan3A_75  : i32 {
      %mul3A_110 = arith.constant 2 : i32
      %mul3A_111 = arith.muli %scan3A_109, %mul3A_110 : i32
      %mul3A_112 = arith.constant 16 : i32
      %mul3A_113 = arith.muli %mul3A_111, %mul3A_112 : i32
      %get3A_114 = arith.index_cast %mul3A_113 : i32 to index
      %get3A_115 = tpu.vector_load %arg5[%get3A_114] {strides = array<i32>} : memref<1024xi32, #tpu.memory_space<vmem>>, vector<16xi32>,
      %get3A_116 = vector.shape_cast %get3A_115 : vector<16xi32> to vector<16xi32>
      %max3A = arith.maxsi %get3A_116, %broadcast_in_dim3A_13 : vector<16xi32>
      %min3A_117 = arith.minsi %max3A, %broadcast_in_dim3A_15 : vector<16xi32>
      %broadcast_in_dim3A_118 = vector.shape_cast %min3A_117 : vector<16xi32> to vector<16x1xi32>
      %gather3A_119 = vector.shape_cast %broadcast_in_dim3A_118 : vector<16x1xi32> to vector<16xi32>
      %gather3A_120 = tpu.dynamic_gather %gather3A_25[%gather3A_119] in [0] : vector<16xf32>, vector<16xi32> -> vector<16xf32>
      %mul3A_121 = arith.constant 16 : i32
      %mul3A_122 = arith.muli %mul3A_111, %mul3A_121 : i32
      %swap3A = arith.constant 0 : i32
      %swap3A_123 = arith.index_cast %swap3A : i32 to index
      %swap3A_124 = arith.index_cast %mul3A_122 : i32 to index
      %swap3A_125 = tpu.vector_load %arg7[%swap3A_123, %swap3A_124] {strides = array<i32>} : memref<5x1024xf32, #tpu.memory_space<vmem>>, vector<1x16xf32>,
      %swap3A_126 = vector.shape_cast %swap3A_125 : vector<1x16xf32> to vector<16xf32>
      %swap3A_127 = vector.shape_cast %gather3A_120 : vector<16xf32> to vector<1x16xf32>
      tpu.vector_store %arg7[%swap3A_123, %swap3A_124], %swap3A_127 {strides = array<i32>} : memref<5x1024xf32, #tpu.memory_space<vmem>>, vector<1x16xf32>,
      %broadcast_in_dim3A_128 = vector.shape_cast %min3A_117 : vector<16xi32> to vector<16x1xi32>
      %gather3A_129 = vector.shape_cast %broadcast_in_dim3A_128 : vector<16x1xi32> to vector<16xi32>
      %gather3A_130 = tpu.dynamic_gather %gather3A_32[%gather3A_129] in [0] : vector<16xf32>, vector<16xi32> -> vector<16xf32>
      %mul3A_131 = arith.constant 16 : i32
      %mul3A_132 = arith.muli %mul3A_111, %mul3A_131 : i32
      %swap3A_133 = arith.constant 1 : i32
      %swap3A_134 = arith.index_cast %swap3A_133 : i32 to index
      %swap3A_135 = arith.index_cast %mul3A_132 : i32 to index
      %swap3A_136 = tpu.vector_load %arg7[%swap3A_134, %swap3A_135] {strides = array<i32>} : memref<5x1024xf32, #tpu.memory_space<vmem>>, vector<1x16xf32>,
      %swap3A_137 = vector.shape_cast %swap3A_136 : vector<1x16xf32> to vector<16xf32>
      %swap3A_138 = vector.shape_cast %gather3A_130 : vector<16xf32> to vector<1x16xf32>
      tpu.vector_store %arg7[%swap3A_134, %swap3A_135], %swap3A_138 {strides = array<i32>} : memref<5x1024xf32, #tpu.memory_space<vmem>>, vector<1x16xf32>,
      %broadcast_in_dim3A_139 = vector.shape_cast %min3A_117 : vector<16xi32> to vector<16x1xi32>
      %gather3A_140 = vector.shape_cast %broadcast_in_dim3A_139 : vector<16x1xi32> to vector<16xi32>
      %gather3A_141 = tpu.dynamic_gather %gather3A_39[%gather3A_140] in [0] : vector<16xf32>, vector<16xi32> -> vector<16xf32>
      %mul3A_142 = arith.constant 16 : i32
      %mul3A_143 = arith.muli %mul3A_111, %mul3A_142 : i32
      %swap3A_144 = arith.constant 2 : i32
      %swap3A_145 = arith.index_cast %swap3A_144 : i32 to index
      %swap3A_146 = arith.index_cast %mul3A_143 : i32 to index
      %swap3A_147 = tpu.vector_load %arg7[%swap3A_145, %swap3A_146] {strides = array<i32>} : memref<5x1024xf32, #tpu.memory_space<vmem>>, vector<1x16xf32>,
      %swap3A_148 = vector.shape_cast %swap3A_147 : vector<1x16xf32> to vector<16xf32>
      %swap3A_149 = vector.shape_cast %gather3A_141 : vector<16xf32> to vector<1x16xf32>
      tpu.vector_store %arg7[%swap3A_145, %swap3A_146], %swap3A_149 {strides = array<i32>} : memref<5x1024xf32, #tpu.memory_space<vmem>>, vector<1x16xf32>,
      %broadcast_in_dim3A_150 = vector.shape_cast %min3A_117 : vector<16xi32> to vector<16x1xi32>
      %gather3A_151 = vector.shape_cast %broadcast_in_dim3A_150 : vector<16x1xi32> to vector<16xi32>
      %gather3A_152 = tpu.dynamic_gather %gather3A_46[%gather3A_151] in [0] : vector<16xf32>, vector<16xi32> -> vector<16xf32>
      %mul3A_153 = arith.constant 16 : i32
      %mul3A_154 = arith.muli %mul3A_111, %mul3A_153 : i32
      %swap3A_155 = arith.constant 3 : i32
      %swap3A_156 = arith.index_cast %swap3A_155 : i32 to index
      %swap3A_157 = arith.index_cast %mul3A_154 : i32 to index
      %swap3A_158 = tpu.vector_load %arg7[%swap3A_156, %swap3A_157] {strides = array<i32>} : memref<5x1024xf32, #tpu.memory_space<vmem>>, vector<1x16xf32>,
      %swap3A_159 = vector.shape_cast %swap3A_158 : vector<1x16xf32> to vector<16xf32>
      %swap3A_160 = vector.shape_cast %gather3A_152 : vector<16xf32> to vector<1x16xf32>
      tpu.vector_store %arg7[%swap3A_156, %swap3A_157], %swap3A_160 {strides = array<i32>} : memref<5x1024xf32, #tpu.memory_space<vmem>>, vector<1x16xf32>,
      %broadcast_in_dim3A_161 = vector.shape_cast %min3A_117 : vector<16xi32> to vector<16x1xi32>
      %gather3A_162 = vector.shape_cast %broadcast_in_dim3A_161 : vector<16x1xi32> to vector<16xi32>
      %gather3A_163 = tpu.dynamic_gather %gather3A_53[%gather3A_162] in [0] : vector<16xf32>, vector<16xi32> -> vector<16xf32>
      %mul3A_164 = arith.constant 16 : i32
      %mul3A_165 = arith.muli %mul3A_111, %mul3A_164 : i32
      %swap3A_166 = arith.constant 4 : i32
      %swap3A_167 = arith.index_cast %swap3A_166 : i32 to index
      %swap3A_168 = arith.index_cast %mul3A_165 : i32 to index
      %swap3A_169 = tpu.vector_load %arg7[%swap3A_167, %swap3A_168] {strides = array<i32>} : memref<5x1024xf32, #tpu.memory_space<vmem>>, vector<1x16xf32>,
      %swap3A_170 = vector.shape_cast %swap3A_169 : vector<1x16xf32> to vector<16xf32>
      %swap3A_171 = vector.shape_cast %gather3A_163 : vector<16xf32> to vector<1x16xf32>
      tpu.vector_store %arg7[%swap3A_167, %swap3A_168], %swap3A_171 {strides = array<i32>} : memref<5x1024xf32, #tpu.memory_space<vmem>>, vector<1x16xf32>,
      %mul3A_172 = arith.constant 2 : i32
      %mul3A_173 = arith.muli %scan3A_109, %mul3A_172 : i32
      %add3A_174 = arith.constant 1 : i32
      %add3A_175 = arith.addi %mul3A_173, %add3A_174 : i32
      %mul3A_176 = arith.constant 16 : i32
      %mul3A_177 = arith.muli %add3A_175, %mul3A_176 : i32
      %get3A_178 = arith.index_cast %mul3A_177 : i32 to index
      %get3A_179 = tpu.vector_load %arg5[%get3A_178] {strides = array<i32>} : memref<1024xi32, #tpu.memory_space<vmem>>, vector<16xi32>,
      %get3A_180 = vector.shape_cast %get3A_179 : vector<16xi32> to vector<16xi32>
      %max3A_181 = arith.maxsi %get3A_180, %broadcast_in_dim3A_13 : vector<16xi32>
      %min3A_182 = arith.minsi %max3A_181, %broadcast_in_dim3A_15 : vector<16xi32>
      %broadcast_in_dim3A_183 = vector.shape_cast %min3A_182 : vector<16xi32> to vector<16x1xi32>
      %gather3A_184 = vector.shape_cast %broadcast_in_dim3A_183 : vector<16x1xi32> to vector<16xi32>
      %gather3A_185 = tpu.dynamic_gather %gather3A_25[%gather3A_184] in [0] : vector<16xf32>, vector<16xi32> -> vector<16xf32>
      %mul3A_186 = arith.constant 16 : i32
      %mul3A_187 = arith.muli %add3A_175, %mul3A_186 : i32
      %swap3A_188 = arith.constant 0 : i32
      %swap3A_189 = arith.index_cast %swap3A_188 : i32 to index
      %swap3A_190 = arith.index_cast %mul3A_187 : i32 to index
      %swap3A_191 = tpu.vector_load %arg7[%swap3A_189, %swap3A_190] {strides = array<i32>} : memref<5x1024xf32, #tpu.memory_space<vmem>>, vector<1x16xf32>,
      %swap3A_192 = vector.shape_cast %swap3A_191 : vector<1x16xf32> to vector<16xf32>
      %swap3A_193 = vector.shape_cast %gather3A_185 : vector<16xf32> to vector<1x16xf32>
      tpu.vector_store %arg7[%swap3A_189, %swap3A_190], %swap3A_193 {strides = array<i32>} : memref<5x1024xf32, #tpu.memory_space<vmem>>, vector<1x16xf32>,
      %broadcast_in_dim3A_194 = vector.shape_cast %min3A_182 : vector<16xi32> to vector<16x1xi32>
      %gather3A_195 = vector.shape_cast %broadcast_in_dim3A_194 : vector<16x1xi32> to vector<16xi32>
      %gather3A_196 = tpu.dynamic_gather %gather3A_32[%gather3A_195] in [0] : vector<16xf32>, vector<16xi32> -> vector<16xf32>
      %mul3A_197 = arith.constant 16 : i32
      %mul3A_198 = arith.muli %add3A_175, %mul3A_197 : i32
      %swap3A_199 = arith.constant 1 : i32
      %swap3A_200 = arith.index_cast %swap3A_199 : i32 to index
      %swap3A_201 = arith.index_cast %mul3A_198 : i32 to index
      %swap3A_202 = tpu.vector_load %arg7[%swap3A_200, %swap3A_201] {strides = array<i32>} : memref<5x1024xf32, #tpu.memory_space<vmem>>, vector<1x16xf32>,
      %swap3A_203 = vector.shape_cast %swap3A_202 : vector<1x16xf32> to vector<16xf32>
      %swap3A_204 = vector.shape_cast %gather3A_196 : vector<16xf32> to vector<1x16xf32>
      tpu.vector_store %arg7[%swap3A_200, %swap3A_201], %swap3A_204 {strides = array<i32>} : memref<5x1024xf32, #tpu.memory_space<vmem>>, vector<1x16xf32>,
      %broadcast_in_dim3A_205 = vector.shape_cast %min3A_182 : vector<16xi32> to vector<16x1xi32>
      %gather3A_206 = vector.shape_cast %broadcast_in_dim3A_205 : vector<16x1xi32> to vector<16xi32>
      %gather3A_207 = tpu.dynamic_gather %gather3A_39[%gather3A_206] in [0] : vector<16xf32>, vector<16xi32> -> vector<16xf32>
      %mul3A_208 = arith.constant 16 : i32
      %mul3A_209 = arith.muli %add3A_175, %mul3A_208 : i32
      %swap3A_210 = arith.constant 2 : i32
      %swap3A_211 = arith.index_cast %swap3A_210 : i32 to index
      %swap3A_212 = arith.index_cast %mul3A_209 : i32 to index
      %swap3A_213 = tpu.vector_load %arg7[%swap3A_211, %swap3A_212] {strides = array<i32>} : memref<5x1024xf32, #tpu.memory_space<vmem>>, vector<1x16xf32>,
      %swap3A_214 = vector.shape_cast %swap3A_213 : vector<1x16xf32> to vector<16xf32>
      %swap3A_215 = vector.shape_cast %gather3A_207 : vector<16xf32> to vector<1x16xf32>
      tpu.vector_store %arg7[%swap3A_211, %swap3A_212], %swap3A_215 {strides = array<i32>} : memref<5x1024xf32, #tpu.memory_space<vmem>>, vector<1x16xf32>,
      %broadcast_in_dim3A_216 = vector.shape_cast %min3A_182 : vector<16xi32> to vector<16x1xi32>
      %gather3A_217 = vector.shape_cast %broadcast_in_dim3A_216 : vector<16x1xi32> to vector<16xi32>
      %gather3A_218 = tpu.dynamic_gather %gather3A_46[%gather3A_217] in [0] : vector<16xf32>, vector<16xi32> -> vector<16xf32>
      %mul3A_219 = arith.constant 16 : i32
      %mul3A_220 = arith.muli %add3A_175, %mul3A_219 : i32
      %swap3A_221 = arith.constant 3 : i32
      %swap3A_222 = arith.index_cast %swap3A_221 : i32 to index
      %swap3A_223 = arith.index_cast %mul3A_220 : i32 to index
      %swap3A_224 = tpu.vector_load %arg7[%swap3A_222, %swap3A_223] {strides = array<i32>} : memref<5x1024xf32, #tpu.memory_space<vmem>>, vector<1x16xf32>,
      %swap3A_225 = vector.shape_cast %swap3A_224 : vector<1x16xf32> to vector<16xf32>
      %swap3A_226 = vector.shape_cast %gather3A_218 : vector<16xf32> to vector<1x16xf32>
      tpu.vector_store %arg7[%swap3A_222, %swap3A_223], %swap3A_226 {strides = array<i32>} : memref<5x1024xf32, #tpu.memory_space<vmem>>, vector<1x16xf32>,
      %broadcast_in_dim3A_227 = vector.shape_cast %min3A_182 : vector<16xi32> to vector<16x1xi32>
      %gather3A_228 = vector.shape_cast %broadcast_in_dim3A_227 : vector<16x1xi32> to vector<16xi32>
      %gather3A_229 = tpu.dynamic_gather %gather3A_53[%gather3A_228] in [0] : vector<16xf32>, vector<16xi32> -> vector<16xf32>
      %mul3A_230 = arith.constant 16 : i32
      %mul3A_231 = arith.muli %add3A_175, %mul3A_230 : i32
      %swap3A_232 = arith.constant 4 : i32
      %swap3A_233 = arith.index_cast %swap3A_232 : i32 to index
      %swap3A_234 = arith.index_cast %mul3A_231 : i32 to index
      %swap3A_235 = tpu.vector_load %arg7[%swap3A_233, %swap3A_234] {strides = array<i32>} : memref<5x1024xf32, #tpu.memory_space<vmem>>, vector<1x16xf32>,
      %swap3A_236 = vector.shape_cast %swap3A_235 : vector<1x16xf32> to vector<16xf32>
      %swap3A_237 = vector.shape_cast %gather3A_229 : vector<16xf32> to vector<1x16xf32>
      tpu.vector_store %arg7[%swap3A_233, %swap3A_234], %swap3A_237 {strides = array<i32>} : memref<5x1024xf32, #tpu.memory_space<vmem>>, vector<1x16xf32>,
    }
    %scan3A_76 = arith.constant 16 : i32
    %add3A_77 = arith.constant 512 : i32
    %add3A_78 = arith.addi %mul3A_2, %add3A_77 : i32
    %dma_start3A_79 = arith.constant 0 : i32
    %dma_start3A_80 = arith.constant 512 : i32
    %dma_start3A_81 = tpu.memref_slice %arg7[%dma_start3A_79, %dma_start3A_80] : memref<5x1024xf32, #tpu.memory_space<vmem>> -> memref<5x512xf32, #tpu.memory_space<vmem>>
    %dma_start3A_82 = arith.constant 0 : i32
    %dma_start3A_83 = tpu.memref_slice %arg4[%dma_start3A_82, %add3A_78] : memref<5x16384xf32, #tpu.memory_space<hbm>> -> memref<5x512xf32, #tpu.memory_space<hbm>>
    %dma_start3A_84 = arith.constant 0 : i32
    %dma_start3A_85 = tpu.memref_slice %arg4[%dma_start3A_84, %add3A_78] : memref<5x16384xf32, #tpu.memory_space<hbm>> -> memref<5x512xf32, #tpu.memory_space<hbm>>
    %dma_start3A_86 = arith.constant 0 : i32
    %dma_start3A_87 = arith.constant 512 : i32
    %dma_start3A_88 = tpu.memref_slice %arg7[%dma_start3A_86, %dma_start3A_87] : memref<5x1024xf32, #tpu.memory_space<vmem>> -> memref<5x512xf32, #tpu.memory_space<vmem>>
    tpu.enqueue_dma source(%dma_start3A_88 : memref<5x512xf32, #tpu.memory_space<vmem>>) target(%dma_start3A_85 : memref<5x512xf32, #tpu.memory_space<hbm>>) target_semaphore(%arg9 : memref<!tpu.dma_semaphore, #tpu.memory_space<semaphore_mem>>)
    %dma_wait3A_89 = arith.constant 0 : i32
    %dma_wait3A_90 = arith.constant 512 : i32
    %dma_wait3A_91 = tpu.memref_slice %arg7[%dma_wait3A_89, %dma_wait3A_90] : memref<5x1024xf32, #tpu.memory_space<vmem>> -> memref<5x512xf32, #tpu.memory_space<vmem>>
    %dma_wait3A_92 = arith.constant 0 : i32
    %dma_wait3A_93 = tpu.memref_slice %arg4[%dma_wait3A_92, %add3A_78] : memref<5x16384xf32, #tpu.memory_space<hbm>> -> memref<5x512xf32, #tpu.memory_space<hbm>>
    %dma_wait3A_94 = arith.constant 0 : i32
    %dma_wait3A_95 = tpu.memref_slice %arg4[%dma_wait3A_94, %add3A_78] : memref<5x16384xf32, #tpu.memory_space<hbm>> -> memref<5x512xf32, #tpu.memory_space<hbm>>
    %dma_wait3A_96 = arith.constant 0 : i32
    %dma_wait3A_97 = arith.constant 512 : i32
    %dma_wait3A_98 = tpu.memref_slice %arg7[%dma_wait3A_96, %dma_wait3A_97] : memref<5x1024xf32, #tpu.memory_space<vmem>> -> memref<5x512xf32, #tpu.memory_space<vmem>>
    tpu.wait_dma2 semaphore(%arg9 : memref<!tpu.dma_semaphore, #tpu.memory_space<semaphore_mem>>) src(%dma_wait3A_98 : memref<5x512xf32, #tpu.memory_space<vmem>>) dst(%dma_wait3A_95 : memref<5x512xf32, #tpu.memory_space<hbm>>)
    %dma_wait3A_99 = arith.constant 0 : i32
    %dma_wait3A_100 = arith.constant 0 : i32
    %dma_wait3A_101 = tpu.memref_slice %arg7[%dma_wait3A_99, %dma_wait3A_100] : memref<5x1024xf32, #tpu.memory_space<vmem>> -> memref<5x512xf32, #tpu.memory_space<vmem>>
    %dma_wait3A_102 = arith.constant 0 : i32
    %dma_wait3A_103 = tpu.memref_slice %arg4[%dma_wait3A_102, %mul3A_2] : memref<5x16384xf32, #tpu.memory_space<hbm>> -> memref<5x512xf32, #tpu.memory_space<hbm>>
    %dma_wait3A_104 = arith.constant 0 : i32
    %dma_wait3A_105 = tpu.memref_slice %arg4[%dma_wait3A_104, %mul3A_2] : memref<5x16384xf32, #tpu.memory_space<hbm>> -> memref<5x512xf32, #tpu.memory_space<hbm>>
    %dma_wait3A_106 = arith.constant 0 : i32
    %dma_wait3A_107 = arith.constant 0 : i32
    %dma_wait3A_108 = tpu.memref_slice %arg7[%dma_wait3A_106, %dma_wait3A_107] : memref<5x1024xf32, #tpu.memory_space<vmem>> -> memref<5x512xf32, #tpu.memory_space<vmem>>
    tpu.wait_dma2 semaphore(%arg8 : memref<!tpu.dma_semaphore, #tpu.memory_space<semaphore_mem>>) src(%dma_wait3A_108 : memref<5x512xf32, #tpu.memory_space<vmem>>) dst(%dma_wait3A_105 : memref<5x512xf32, #tpu.memory_space<hbm>>)
    return
  }
}

</mosaic_0001>

<sc_bundles>
// kernel: kernel.3.cloned.1.call-start
scs
__scs_entry_jumppad:
0x0: {  	(pc) =	sbr.rel $0x88, $3  }
0x1: {  	(tag) =	ssettag $0x0;
	lr =	simm.s32 $0x1  }
0x2: {  	[smem:$0x3F9F] =	sst lr;
	_ =	strace $0xD0000000  }
0x3: {  	_ = 	snop  }
0x4: {  	_ = 	snop  }
0x5: {  	_ = 	snop  }
0x6: {  	_ = 	snop  }
0x7: {  	_ = 	snop  }
__scs_overlays_trampoline_lowered:
0x8: {  	[smem:$0x3FAE] =	sst s0  }
0x9: {  	[smem:$0x3FAF] =	sst s1  }
0xa: {  	[smem:$0x3FB0] =	sst s2  }
0xb: {  	[smem:$0x3FB1] =	sst s3  }
0xc: {  	[smem:$0x3FB2] =	sst s4  }
0xd: {  	[smem:$0x3FB3] =	sst s5  }
0xe: {  	[smem:$0x3FB4] =	sst s6  }
0xf: {  	[smem:$0x3FB5] =	sst s7  }
0x10: {  	[smem:$0x3FB6] =	sst s8  }
0x11: {  	[smem:$0x3FB7] =	sst s9;
	s0 =	simm.s32 @!p0 $0x0  }
0x12: {  	s1 =	sld [smem:$0x3F9D];
	s0 =	simm.s32 @p0 $0x1  }
0x13: {  	[smem:$0x3FB8] =	sst s0;
	s0 =	simm.s32 @!p1 $0x0  }
0x14: {  	s2 =	sld [smem:$0x3F9C];
	s0 =	simm.s32 @p1 $0x1  }
0x15: {  	[smem:$0x3FB9] =	sst s0;
	s0 =	simm.s32 @!p2 $0x0  }
0x16: {  	s3 =	sld [smem:$0x3FDB];
	s0 =	simm.s32 @p2 $0x1  }
0x17: {  	s4 =	simm.s32 $0x1BF5;
	[smem:$0x3FBB] =	sst s0  }
0x18: {  	s0 =	sld [smem:$0x3F9E];
	_ =	swait.ge [sflag:s4], $0x0  }
0x19: {  	s7 =	sld [smem:$0x3F9F]  }
0x1a: {  	s8 =	sadd.s32 $0xFFFFE003, lr  }
0x1b: {  	s9 =	sadd.s32 $0xFFFFFEF7, lr;
	s5 =	simm.s32 $0xFFFFFFFF;
	p2 =	slt.u32 s8, $0xFFFFF086  }
0x1c: {  	p1 =	slt.u32 s9, $0xF7A;
	s5 =	simm.s32 @!p2 $0x0  }
0x1d: {  	s5 =	simm.s32 @p1 $0x1;
	p0 =	seq.s32 s7, s2  }
0x1e: {  	s7 =	smul.u32 @!p0 $0xF7A, s2;
	p2 =	seq.s32 @!p0 s5, $0x0  }
0x1f: {  	s9 =	smul.u32 $0xF7A, s1;
	s8 =	simm.s32 @!p0 $0x1BF5;
	p2 =	por !p2, p0  }
0x20: {  	[sflag:s8] =	ssyncset.s32 @!p0 $0xFFFFF086;
	s6 =	sadd.s32 @!p0 s3, s7;
	s7 =	simm.s32 @!p0 $0x108  }
0x21: {  	s3 =	sadd.s32 s3, s9;
	s6 =	sadd.s32 @!p0 $0x88, s6;
	s7 =	simm.s32 @p2 $0x1082  }
0x22: {  	[simem:s7], [sflag:s8] =	dma.local @!p0 [hbm:s6], $0xF7A  }
0x23: {  	s9 =	sor.u32 $0xD0000000, s2;
	s6 =	simm.s32 $0x108;
	_ =	swait.ge @!p0 [sflag:s8], $0x0  }
0x24: {  	s3 =	sadd.s32 $0x88, s3;
	s6 =	simm.s32 @!p1 $0x1082;
	[sflag:s4] =	ssyncset.s32 $0xFFFFF086  }
0x25: {  	[simem:s6], [sflag:s4] =	dma.local [hbm:s3], $0xF7A  }
0x26: {  	[smem:$0x3F9F] =	sst s1;
	(tag) =	ssettag s2;
	_ =	strace s9  }
0x27: {  	s1 =	sld [smem:$0x3FAF]  }
0x28: {  	s2 =	sld [smem:$0x3FB0]  }
0x29: {  	s4 =	sld [smem:$0x3FB2]  }
0x2a: {  	p0 =	seq.s32 s5, $0x0;
	s5 =	sld [smem:$0x3FB3]  }
0x2b: {  	s6 =	sld [smem:$0x3FB4]  }
0x2c: {  	s7 =	sld [smem:$0x3FB5]  }
0x2d: {  	s3 =	simm.s32 $0x108;
	s8 =	sld [smem:$0x3FB6]  }
0x2e: {  	s3 =	simm.s32 @!p0 $0x1082;
	s9 =	sld [smem:$0x3FB7]  }
0x2f: {  	lr =	sadd.s32 s0, s3;
	s0 =	sld [smem:$0x3FAE]  }
0x30: {  	s3 =	sld [smem:$0x3FB1]  }
0x31: {  	[smem:$0x3FBA] =	sst s10  }
0x32: {  	s10 =	sld [smem:$0x3FB8];
	_ =	sdelay $0x3  }
0x33: {  	p0 =	seq.s32 s10, $0x1;
	s10 =	sld [smem:$0x3FBA];
	_ =	sdelay $0x3  }
0x34: {  	[smem:$0x3FBA] =	sst s10  }
0x35: {  	s10 =	sld [smem:$0x3FB9];
	_ =	sdelay $0x3  }
0x36: {  	p1 =	seq.s32 s10, $0x1;
	s10 =	sld [smem:$0x3FBA];
	_ =	sdelay $0x3  }
0x37: {  	[smem:$0x3FBA] =	sst s10  }
0x38: {  	s10 =	sld [smem:$0x3FBB]  }
0x39: {  	_ = 	snop;
	(pc) =	sbr.ind lr, $3  }
0x3a: {  	_ = 	snop  }
0x3b: {  	_ = 	snop  }
0x3c: {  	p2 =	seq.s32 s10, $0x1;
	s10 =	sld [smem:$0x3FBA]  }
0x3d: {  	_ =	shalt  }
0x3e: {  	_ =	shalt  }
0x3f: {  	_ =	shalt  }
0x40: {  	_ =	shalt  }
0x41: {  	_ =	shalt  }
0x42: {  	_ =	shalt  }
0x43: {  	_ =	shalt  }
0x44: {  	_ =	shalt  }
0x45: {  	_ =	shalt  }
0x46: {  	_ =	shalt  }
0x47: {  	_ =	shalt  }
0x48: {  	_ =	shalt  }
0x49: {  	_ =	shalt  }
0x4a: {  	_ =	shalt  }
0x4b: {  	_ =	shalt  }
0x4c: {  	_ =	shalt  }
0x4d: {  	_ =	shalt  }
0x4e: {  	_ =	shalt  }
0x4f: {  	_ =	shalt  }
0x50: {  	_ =	shalt  }
0x51: {  	_ =	shalt  }
0x52: {  	_ =	shalt  }
0x53: {  	_ =	shalt  }
0x54: {  	_ =	shalt  }
0x55: {  	_ =	shalt  }
0x56: {  	_ =	shalt  }
0x57: {  	_ =	shalt  }
0x58: {  	_ =	shalt  }
0x59: {  	_ =	shalt  }
0x5a: {  	_ =	shalt  }
0x5b: {  	_ =	shalt  }
0x5c: {  	_ =	shalt  }
0x5d: {  	_ =	shalt  }
0x5e: {  	_ =	shalt  }
0x5f: {  	_ =	shalt  }
0x60: {  	_ =	shalt  }
0x61: {  	_ =	shalt  }
0x62: {  	_ =	shalt  }
0x63: {  	_ =	shalt  }
0x64: {  	_ =	shalt  }
0x65: {  	_ =	shalt  }
0x66: {  	_ =	shalt  }
0x67: {  	_ =	shalt  }
0x68: {  	_ =	shalt  }
0x69: {  	_ =	shalt  }
0x6a: {  	_ =	shalt  }
0x6b: {  	_ =	shalt  }
0x6c: {  	_ =	shalt  }
0x6d: {  	_ =	shalt  }
0x6e: {  	_ =	shalt  }
0x6f: {  	_ =	shalt  }
0x70: {  	_ =	shalt  }
0x71: {  	_ =	shalt  }
0x72: {  	_ =	shalt  }
0x73: {  	_ =	shalt  }
0x74: {  	_ =	shalt  }
0x75: {  	_ =	shalt  }
0x76: {  	_ =	shalt  }
0x77: {  	_ =	shalt  }
0x78: {  	_ =	shalt  }
0x79: {  	_ =	shalt  }
0x7a: {  	_ =	shalt  }
0x7b: {  	_ =	shalt  }
0x7c: {  	_ =	shalt  }
0x7d: {  	_ =	shalt  }
0x7e: {  	_ =	shalt  }
0x7f: {  	_ =	shalt  }
0x80: {  	_ =	shalt  }
0x81: {  	_ =	shalt  }
0x82: {  	_ =	shalt  }
0x83: {  	_ =	shalt  }
0x84: {  	_ =	shalt  }
0x85: {  	_ =	shalt  }
0x86: {  	_ =	shalt  }
0x87: {  	_ =	shalt  }
.Lfunc_end0:
.L_simem_size_0:
called_computation_lowered:
.L_overlay_start_0:
0x88: {  	s0 =	sld [smem:$0x3FD9]  }
0x89: {  	s1 =	sld [smem:$0x3FFE];
	_ =	sdelay $0x3  }
0x8a: {  	s0 =	sadd.s32 s1, s0  }
0x8b: {  	[smem:$0x3FC6] =	sst s0  }
0x8c: {  	_ = 	snop  }
0x8d: {  	s0 =	sld [smem:$0x3FC9]  }
0x8e: {  	s16 =	sld [smem:$0x3FD0];
	(tm) =	ssettm $0x1  }
0x8f: {  	s2 =	sld [smem:$0x3FFB];
	_ =	sdelay $0x3  }
0x90: {  	_ =	strace s2  }
0x91: {  	s2 =	sld [smem:$0x3FFC];
	_ =	sdelay $0x3  }
0x92: {  	_ =	strace s2  }
0x93: {  	s2 =	sld [smem:$0x3FFD];
	_ =	sdelay $0x3  }
0x94: {  	_ =	strace s2  }
0x95: {  	_ =	strace $0x8FFFFFFF  }
0x96: {  	s17 =	sld [smem:$0x3FDB];
	_ =	sdelay $0x1  }
0x97: {  	s3 =	simm.s32 $_scs_section_size  }
0x98: {  	s4 =	simm.s32 $_size__tile_overlayer_lowered;
	s5 =	simm.s32 $_tile_overlayer_lowered  }
0x99: {  	s20 =	simm.s32 $0x1BFF;
	s19 =	sshll.u32 s5, $0x1;
	s2 =	sadd.s32 s3, s17  }
0x9a: {  	s6 =	simm.s32 $0x0;
	s18 =	sshll.u32 s4, $0x1;
	s4 =	sadd.s32 s19, s2  }
0x9b: {  	[timem:s6], [sflag:s20] =	dma.local [hbm:s4], s18  }
0x9c: {  	_ =	swait.ge [sflag:s20], s18  }
0x9d: {  	s3 =	ssub.s32 $0x0, s18;
	[sflag:s20] =	ssyncset.done $0x0  }
0x9e: {  	[sflag:s20] =	ssyncadd.s32 s3;
	_ =	sdelay $0x1  }
0x9f: {  	s21 =	simm.s32 $0x1B8B  }
0xa0: {  	_ =	swait.ge [sflag:s21], $0x1  }
0xa1: {  	[sflag:s21] =	ssyncset.done $0x0  }
0xa2: {  	s23 =	simm.s32 $0x1B8E;
	s22 =	sld [smem:$0x3FFE];
	[sflag:s21] =	ssyncadd.s32 $0xFFFFFFFF  }
0xa3: {  	s24 =	simm.s32 $execute0_lowered;
	[smem:$0x3FD2] =	sst s23  }
0xa4: {  	s4 =	sshll.u32 s24, $0x1;
	_ =	strace $0x80000046;
	[dreg:$0x1] =	wrdreg $0xFFFFFFFF  }
0xa5: {  	s25 =	simm.s32 $_size_execute0_lowered;
	s2 =	sadd.s32 s2, s4;
	[dreg:$0x0] =	wrdreg $0x0  }
0xa6: {  	s4 =	sshll.u32 s25, $0x1;
	[dreg:$0x2] =	wrdreg s2  }
0xa7: {  	[dreg:$0x3] =	wrdreg s4  }
0xa8: {  	[dreg:$0x4] =	wrdreg $0xC0  }
0xa9: {  	_ =	task [dreg:s6], $0x5FFFF  }
0xaa: {  	[dreg:$0x1] =	wrdreg $0xFFFFFFFF  }
0xab: {  	[dreg:$0x0] =	wrdreg $0x60  }
0xac: {  	[dreg:$0x2] =	wrdreg s0  }
0xad: {  	[dreg:$0x3] =	wrdreg s22  }
0xae: {  	[dreg:$0x4] =	wrdreg s16  }
0xaf: {  	[dreg:$0x5] =	wrdreg $0x9  }
0xb0: {  	_ =	task.clear_ibuf [dreg:s6], $0x6FFFF;
	_ =	strace $0x90000046  }
0xb1: {  	s26 =	simm.s32 $0x9;
	_ =	strace $0x80000048  }
0xb2: {  	_ =	swait.ge [sflag:s26], $0x1  }
0xb3: {  	[sflag:s26] =	ssyncadd.s32 $0xFFFFFFFF  }
0xb4: {  	_ =	strace $0x90000048  }
0xb5: {  	_ =	sfence  }
0xb6: {  	s28 =	sld [smem:$0x0];
	_ =	sdelay $0x1  }
0xb7: {  	s29 =	srdreg.scid  }
0xb8: {  	s30 =	sshll.u32 s29, $0xD;
	s31 =	sshrl.u32 s29, $0x2  }
0xb9: {  	s1 =	sand.u32 $0x1, s29;
	s2 =	sand.u32 $0x4000, s30;
	s0 =	sadd.s32 s31, s28  }
0xba: {  	s1 =	sor.u32 s2, s1;
	s0 =	sshll.u32 s0, $0x11  }
0xbb: {  	s0 =	sor.u32 s0, s1  }
0xbc: {  	s0 =	sadd.s32 $0x8F2B, s0  }
0xbd: {  	[sflag:s0] =	ssyncadd.remote.s32 $0x1  }
0xbe: {  	_ =	sfence.sel $0xFFFF  }
0xbf: {  	[dreg:$0x0] =	wrdreg $0xFFFFFFFF;
	(pc) =	sbr.abs _section_cstart, $3  }
0xc0: {  	[dreg:$0x1] =	wrdreg $0xFFFFFFFF  }
0xc1: {  	_ =	task.clear_ibuf [dreg:s6], $0x2FFFF;
	_ =	strace $0x9FFFFFFF  }
0xc2: {  	(tm) =	ssettm $0x7FFFFFFF  }
0xc3: {  	_ =	shalt  }
tec
execute0_lowered:
.L_overlay_start_1:
0x0: {  	(tag) =	ssettag $0x1  }
0x1: {  	s4 =	rddreg [dreg:$0x0]  }
0x2: {  	s5 =	rddreg [dreg:$0x1]  }
0x3: {  	s2 =	rddreg [dreg:$0x2];
	s3 =	simm.s32 $0x0;
	s1 =	stileid.u32  }
0x4: {  	[smem:$0x7FF] =	sst s3;
	s6 =	sshll.u32 s1, $0x7  }
0x5: {  	s0 =	rddreg [dreg:$0x3];
	_ =	strace $0x80000047;
	s4 =	sadd.s32 s4, s6  }
0x6: {  	[tilespmem:s3], [sflag:$0x1] =	stream.linear.gather [hbm4b:s4+s3], $0x400, $0x38;
	[tilespmem:$0x2480] =	vst v63  }
0x7: {  	s25 =	simm.s32 $0x400;
	s26 =	simm.s32 $0x2;
	s24 =	sadd.s32 $0x400, s5  }
0x8: {  	[tilespmem:s25], [sflag:$0x2] =	stream.linear.gather [hbm4b:s24+s3], $0xF, $0x38;
	[tilespmem:$0x2480] =	vst v63  }
0x9: {  	_ =	swait.ge [sflag:s26], $0xF  }
0xa: {  	[sflag:s26] =	ssyncset.done $0x0  }
0xb: {  	s28 =	simm.s32 $0x1;
	[sflag:s26] =	ssyncadd.s32 $0xFFFFFFF1  }
0xc: {  	v4 =	vld [tilespmem:$0x400];
	_ =	swait.ge [sflag:s28], $0x400  }
0xd: {  	[sflag:s28] =	ssyncset.done $0x0  }
0xe: {  	[sflag:s28] =	ssyncadd.s32 $0xFFFFFC00  }
0xf: {  	v1 =	vimm.s32 $0xF0A0500;
	v0 =	vld [tilespmem:s3+$0x0]  }
0x10: {  	v3 =	vunpack.c.0.s8.s32 v1;
	v1 =	vimm.s32 $0xF0E0904  }
0x11: {  	v6 =	vimm.s32 $0xF0C0702;
	v1 =	vunpack.c.0.s8.s32 v1  }
0x12: {  	vm15 =	vcmask $0xF00;
	v6 =	vunpack.c.0.s8.s32 v6  }
0x13: {  	v2 =	vimm.s32 $0xF0B0601;
	v1 =	vnsel vm15, $0xF, v1  }
0x14: {  	v6 =	vnsel vm15, $0xF, v6;
	v1 =	vperm.xlane v4, v1;
	vm0 =	vgt.s32 v0, $0x0  }
0x15: {  	v5 =	vnsel vm0, $0x0, v0;
	v0 =	vunpack.c.0.s8.s32 v2;
	v2 =	vimm.s32 $0xF0D0803  }
0x16: {  	s29 =	sand.u32 $0xC00, s3;
	v8 =	vnsel vm15, $0xF, v3;
	v2 =	vunpack.c.0.s8.s32 v2;
	v5 =	vmin.u32 v5, $0x2  }
0x17: {  	s30 =	sand.u32 $0x60, s3;
	s6 =	sadd.s32 $0x480, s29;
	v3 =	vperm.xlane v4, v6;
	v0 =	vnsel vm15, $0xF, v0;
	v7 =	vperm.xlane v1, v5  }
0x18: {  	s4 =	sor.u32 s30, s6;
	v0 =	vperm.xlane v4, v0;
	v2 =	vnsel vm15, $0xF, v2  }
0x19: {  	v2 =	vperm.xlane v4, v2;
	[tilespmem:s4+$0x200] =	vst v7;
	v7 =	vperm.xlane v3, v5  }
0x1a: {  	v4 =	vperm.xlane v4, v8;
	v6 =	vperm.xlane v0, v5  }
0x1b: {  	v63 =	vperm.xlane v2, v5;
	[tilespmem:s4+$0x100] =	vst v7  }
0x1c: {  	v5 =	vperm.xlane v4, v5;
	[tilespmem:s4+$0x80] =	vst v6  }
0x1d: {  	s31 =	sand.u32 $0x180, s3;
	s7 =	sor.u32 $0x10, s30;
	[tilespmem:s4+$0x180] =	vst v63  }
0x1e: {  	s5 =	sor.u32 s7, s31;
	[tilespmem:s4+$0x0] =	vst v5  }
0x1f: {  	s4 =	simm.s32 $0x20;
	v5 =	vld [tilespmem:s5+$0x0];
	s5 =	simm.s32 $0x0  }
.LBB2_1:
0x20: {  	_ = 	snop  }
0x21: {  	p0 =	sne.s32 s4, $0x1E0;
	s3 =	sadd.s32 $0x100, s3;
	s5 =	sadd.s32 $0x20, s5  }
0x22: {  	s8 =	smov.u32 s4;
	s4 =	sadd.s32 $0x20, s4;
	_ =	sdelay $0x1  }
0x23: {  	vm0 =	vgt.s32 v5, $0x0  }
0x24: {  	v5 =	vnsel vm0, $0x0, v5  }
0x25: {  	v5 =	vmin.u32 v5, $0x2  }
0x26: {  	v6 =	vperm.xlane v4, v5;
	v7 =	vperm.xlane v0, v5  }
0x27: {  	s6 =	sor.u32 s7, s6;
	v8 =	vperm.xlane v3, v5;
	v9 =	vperm.xlane v1, v5  }
0x28: {  	[tilespmem:s6+$0x0] =	vst v6  }
0x29: {  	v5 =	vperm.xlane v2, v5;
	[tilespmem:s6+$0x100] =	vst v8  }
0x2a: {  	[tilespmem:s6+$0x200] =	vst v9  }
0x2b: {  	[tilespmem:s6+$0x180] =	vst v5  }
0x2c: {  	[tilespmem:s6+$0x80] =	vst v7  }
0x2d: {  	v5 =	vld [tilespmem:s5+$0x0];
	_ =	sdelay $0x4  }
0x2e: {  	vm0 =	vgt.s32 v5, $0x0  }
0x2f: {  	v5 =	vnsel vm0, $0x0, v5  }
0x30: {  	s6 =	sand.u32 $0xC00, s3;
	v5 =	vmin.u32 v5, $0x2  }
0x31: {  	s7 =	sand.u32 $0x60, s8;
	s6 =	sadd.s32 $0x480, s6;
	v6 =	vperm.xlane v3, v5;
	v7 =	vperm.xlane v1, v5  }
0x32: {  	s9 =	sor.u32 s7, s6;
	v8 =	vperm.xlane v4, v5;
	v9 =	vperm.xlane v0, v5  }
0x33: {  	v5 =	vperm.xlane v2, v5;
	[tilespmem:s9+$0x200] =	vst v7  }
.Ltmp0:
0x34: {  	[tilespmem:s9+$0x80] =	vst v9;
	(pc) =	sbr.rel @p0 .LBB2_1-.Ltmp0, $4  }
0x35: {  	[tilespmem:s9+$0x180] =	vst v5  }
0x36: {  	s8 =	sand.u32 $0x180, s8;
	s7 =	sor.u32 $0x10, s7;
	[tilespmem:s9+$0x100] =	vst v6  }
0x37: {  	s8 =	sor.u32 s7, s8;
	[tilespmem:s9+$0x0] =	vst v8  }
0x38: {  	v5 =	vld [tilespmem:s8+$0x0]  }
0x39: {  	_ =	sdelay $0x3  }
0x3a: {  	vm0 =	vgt.s32 v5, $0x0  }
0x3b: {  	v5 =	vnsel vm0, $0x0, v5  }
0x3c: {  	v5 =	vmin.u32 v5, $0x2  }
0x3d: {  	v6 =	vperm.xlane v4, v5  }
0x3e: {  	s4 =	sor.u32 s7, s6;
	v7 =	vperm.xlane v3, v5  }
0x3f: {  	v8 =	vperm.xlane v1, v5;
	[tilespmem:s4+$0x0] =	vst v6  }
0x40: {  	[tilespmem:s4+$0x100] =	vst v7;
	v6 =	vperm.xlane v2, v5  }
0x41: {  	v5 =	vperm.xlane v0, v5;
	[tilespmem:s4+$0x200] =	vst v8  }
0x42: {  	s3 =	sshll.u32 s1, $0xA;
	s5 =	simm.s32 $0x0;
	[tilespmem:s4+$0x180] =	vst v6  }
0x43: {  	s30 =	simm.s32 $0x480;
	s29 =	sadd.s32 s2, s3;
	[tilespmem:s4+$0x80] =	vst v5;
	s4 =	simm.s32 $0x200  }
0x44: {  	[hbm4b:s29+s5] =	stream.linear.scatter [tilespmem:s30], [sflag:$0x1], $0x1000, $0x38;
	[tilespmem:$0x2480] =	vst v63  }
0x45: {  	v5 =	vld [tilespmem:s4+$0x0];
	_ =	sdelay $0x4  }
0x46: {  	vm15 =	vgt.s32 v5, $0x0  }
0x47: {  	s5 =	simm.s32 $0x1000;
	v5 =	vnsel vm15, $0x0, v5  }
0x48: {  	s31 =	sand.u32 $0x1C00, s5;
	v5 =	vmin.u32 v5, $0x2  }
0x49: {  	s8 =	sand.u32 $0x60, s4;
	s7 =	sadd.s32 $0x480, s31;
	v6 =	vperm.xlane v1, v5  }
0x4a: {  	s6 =	sor.u32 s8, s7;
	v7 =	vperm.xlane v0, v5  }
0x4b: {  	v63 =	vperm.xlane v2, v5;
	[tilespmem:s6+$0x200] =	vst v6  }
0x4c: {  	v6 =	vperm.xlane v3, v5;
	[tilespmem:s6+$0x80] =	vst v7  }
0x4d: {  	v5 =	vperm.xlane v4, v5;
	[tilespmem:s6+$0x180] =	vst v63  }
0x4e: {  	s9 =	sand.u32 $0x380, s4;
	s8 =	sor.u32 $0x10, s8;
	[tilespmem:s6+$0x100] =	vst v6  }
0x4f: {  	s9 =	sor.u32 s8, s9;
	[tilespmem:s6+$0x0] =	vst v5  }
0x50: {  	s6 =	simm.s32 $0x220;
	v5 =	vld [tilespmem:s9+$0x0]  }
.LBB2_3:
0x51: {  	_ = 	snop  }
0x52: {  	p0 =	sne.s32 s6, $0x3E0;
	s5 =	sadd.s32 $0x100, s5;
	s4 =	sadd.s32 $0x20, s4  }
0x53: {  	s9 =	smov.u32 s6;
	s6 =	sadd.s32 $0x20, s6;
	_ =	sdelay $0x1  }
0x54: {  	vm0 =	vgt.s32 v5, $0x0  }
0x55: {  	v5 =	vnsel vm0, $0x0, v5  }
0x56: {  	v5 =	vmin.u32 v5, $0x2  }
0x57: {  	v6 =	vperm.xlane v4, v5;
	v7 =	vperm.xlane v0, v5  }
0x58: {  	s7 =	sor.u32 s8, s7;
	v8 =	vperm.xlane v3, v5;
	v9 =	vperm.xlane v1, v5  }
0x59: {  	[tilespmem:s7+$0x0] =	vst v6  }
0x5a: {  	v5 =	vperm.xlane v2, v5;
	[tilespmem:s7+$0x100] =	vst v8  }
0x5b: {  	[tilespmem:s7+$0x200] =	vst v9  }
0x5c: {  	[tilespmem:s7+$0x180] =	vst v5  }
0x5d: {  	[tilespmem:s7+$0x80] =	vst v7  }
0x5e: {  	v5 =	vld [tilespmem:s4+$0x0];
	_ =	sdelay $0x4  }
0x5f: {  	vm0 =	vgt.s32 v5, $0x0  }
0x60: {  	v5 =	vnsel vm0, $0x0, v5  }
0x61: {  	s7 =	sand.u32 $0x1C00, s5;
	v5 =	vmin.u32 v5, $0x2  }
0x62: {  	s8 =	sand.u32 $0x60, s9;
	s7 =	sadd.s32 $0x480, s7;
	v6 =	vperm.xlane v3, v5;
	v7 =	vperm.xlane v1, v5  }
0x63: {  	s10 =	sor.u32 s8, s7;
	v8 =	vperm.xlane v4, v5;
	v9 =	vperm.xlane v0, v5  }
0x64: {  	v5 =	vperm.xlane v2, v5;
	[tilespmem:s10+$0x200] =	vst v7  }
.Ltmp1:
0x65: {  	[tilespmem:s10+$0x80] =	vst v9;
	(pc) =	sbr.rel @p0 .LBB2_3-.Ltmp1, $4  }
0x66: {  	[tilespmem:s10+$0x180] =	vst v5  }
0x67: {  	s9 =	sand.u32 $0x380, s9;
	s8 =	sor.u32 $0x10, s8;
	[tilespmem:s10+$0x100] =	vst v6  }
0x68: {  	s9 =	sor.u32 s8, s9;
	[tilespmem:s10+$0x0] =	vst v8  }
0x69: {  	v5 =	vld [tilespmem:s9+$0x0]  }
0x6a: {  	_ =	sdelay $0x3  }
0x6b: {  	vm0 =	vgt.s32 v5, $0x0  }
0x6c: {  	v5 =	vnsel vm0, $0x0, v5  }
0x6d: {  	v5 =	vmin.u32 v5, $0x2  }
0x6e: {  	v4 =	vperm.xlane v4, v5  }
0x6f: {  	s4 =	sor.u32 s8, s7;
	v3 =	vperm.xlane v3, v5  }
0x70: {  	v1 =	vperm.xlane v1, v5;
	[tilespmem:s4+$0x0] =	vst v4  }
0x71: {  	v2 =	vperm.xlane v2, v5;
	[tilespmem:s4+$0x100] =	vst v3  }
0x72: {  	v0 =	vperm.xlane v0, v5;
	[tilespmem:s4+$0x200] =	vst v1  }
0x73: {  	s2 =	sadd.s32 s3, s2;
	s28 =	simm.s32 $0x0;
	[tilespmem:s4+$0x180] =	vst v2  }
0x74: {  	s29 =	simm.s32 $0x1480;
	s30 =	simm.s32 $0x2;
	s2 =	sadd.s32 $0x200, s2;
	[tilespmem:s4+$0x80] =	vst v0  }
0x75: {  	[hbm4b:s2+s28] =	stream.linear.scatter [tilespmem:s29], [sflag:$0x2], $0x1000, $0x38;
	[tilespmem:$0x2480] =	vst v63  }
0x76: {  	_ =	swait.ge [sflag:s30], $0x1000  }
0x77: {  	[sflag:s30] =	ssyncset.done $0x0  }
0x78: {  	s31 =	simm.s32 $0x1;
	[sflag:s30] =	ssyncadd.s32 $0xFFFFF000  }
0x79: {  	_ =	swait.ge [sflag:s31], $0x1000  }
0x7a: {  	[sflag:s31] =	ssyncset.done $0x0  }
0x7b: {  	[sflag:s31] =	ssyncadd.s32 $0xFFFFF000  }
0x7c: {  	_ =	sfence.sel $0x180000  }
0x7d: {  	[bflag:$0x0] =	sbarrier.arrive $0xFFFF  }
0x7e: {  	p0 =	sne.s32 s1, $0x0;
	_ =	strace $0x90000047  }
0x7f: {  	s0 =	sadd.s32 @!p0 $0x100000, s0;
	[bflag:$0x2] =	sbarrier.arrive $0xFFFF  }
0x80: {  	[sflag:s0] =	ssyncadd.tile.s32 @!p0 $0x1;
	_ =	shalt  }
.Lfunc_end2:
_tile_overlayer_lowered:
.L_overlay_start_2:
0x81: {  	(tag) =	ssettag $0x2  }
0x82: {  	s0 =	rddreg [dreg:$0x0];
	s2 =	stileid.u32  }
0x83: {  	s1 =	rddreg [dreg:$0x1];
	p0 =	sne.s32 s2, $0x0  }
0x84: {  	s3 =	rddreg [dreg:$0x2];
	[bflag:$0x3] =	sbarrier.arrive $0xFFFF;
	s2 =	simm.s32 @!p0 $0x1C03  }
0x85: {  	[timem:s3], [sflag:s2] =	dma.local @!p0 [hbm:s0], s1  }
0x86: {  	s0 =	simm.s32 @!p0 $0x3  }
0x87: {  	_ =	swait.ge @!p0 [sflag:s0], s1  }
0x88: {  	s1 =	ssub.s32 @!p0 $0x0, s1;
	[sflag:s0] =	ssyncset.done @!p0 $0x0  }
0x89: {  	[sflag:s0] =	ssyncadd.s32 @!p0 s1  }
0x8a: {  	[bflag:$0x3] =	sbarrier.arrive $0xFFFF  }
0x8b: {  	_ =	shalt  }

</sc_bundles>
